<compile_context>
chip_gen: v7x
topology: tpu7x:2x2x1
jax: 0.10.2.dev20260603
libtpu: 0.0.44.dev20260713+nightly
codegen_flags: <defaults>
</compile_context>

<pallas_src>
import functools

import jax
import jax.numpy as jnp
from jax import lax
from jax.experimental import pallas as pl
from jax.experimental.pallas import tpu as pltpu
from jax.experimental.pallas import tpu_sc as plsc

_B = 4096
_DU = 128
_DA = 32
_KA = 1000
_KW = 250
_TB = 512


@functools.lru_cache(maxsize=None)
def _build_sc():
    info = plsc.get_sparse_core_info()
    nc, ns = info.num_cores, info.num_subcores
    nw = nc * ns
    bpw = _B // nw

    mesh = plsc.VectorSubcoreMesh(core_axis_name="c", subcore_axis_name="s")

    @functools.partial(
        pl.kernel,
        mesh=mesh,
        compiler_params=pltpu.CompilerParams(needs_layout_passes=False),
        out_type=(
            jax.ShapeDtypeStruct((_B, _DU), jnp.float32),
            jax.ShapeDtypeStruct((_B, _DU), jnp.float32),
        ),
        scratch_types=[
            pltpu.VMEM((bpw,), jnp.int32),
            pltpu.VMEM((bpw,), jnp.int32),
            pltpu.VMEM((bpw, _DU), jnp.float32),
            pltpu.VMEM((bpw, _DU), jnp.float32),
            pltpu.SemaphoreType.DMA,
            pltpu.SemaphoreType.DMA,
            pltpu.SemaphoreType.DMA,
            pltpu.SemaphoreType.DMA,
        ],
    )
    def emb(user_hbm, item_hbm, un_hbm, in_hbm,
            u_out, i_out,
            uidx, iidx, urows, irows,
            su, si, syu, syi):
        wid = lax.axis_index("s") * nc + lax.axis_index("c")
        base = wid * bpw
        gu = pltpu.async_copy(un_hbm.at[pl.ds(base, bpw)], uidx, syu)
        gi = pltpu.async_copy(in_hbm.at[pl.ds(base, bpw)], iidx, syi)
        gu.wait()
        cu = pltpu.async_copy(user_hbm.at[uidx], urows, su)
        gi.wait()
        ci = pltpu.async_copy(item_hbm.at[iidx], irows, si)
        cu.wait()
        pltpu.sync_copy(urows, u_out.at[pl.ds(base, bpw)])
        ci.wait()
        pltpu.sync_copy(irows, i_out.at[pl.ds(base, bpw)])

    return emb


def _attr_body(idx_ref, tabw_ref, o_ref):
    idx = idx_ref[:]
    wrow = lax.shift_right_logical(idx, 2)
    sub = idx & 3
    k_iota = lax.broadcasted_iota(jnp.int32, (_KW, _B), 0)
    one_hot_t = (k_iota == wrow[None, :]).astype(jnp.float32)
    wide_t = jnp.dot(tabw_ref[:].T, one_hot_t,
                     preferred_element_type=jnp.float32,
                     precision=lax.Precision.HIGHEST)
    acc = jnp.zeros((_DA, _B), jnp.float32)
    for q in range(4):
        m = (sub == q).astype(jnp.float32)[None, :]
        acc = acc + m * wide_t[q * _DA:(q + 1) * _DA, :]
    o_ref[:] = acc


@functools.lru_cache(maxsize=None)
def _build_attr_tc():
    return pl.pallas_call(
        _attr_body,
        out_shape=jax.ShapeDtypeStruct((_DA, _B), jnp.float32),
    )


def kernel(user_table, item_table, attr_table, user_nodes, item_nodes,
           attribute_nodes):
    emb = _build_sc()
    attr_tc = _build_attr_tc()
    u, i = emb(
        user_table, item_table,
        user_nodes.astype(jnp.int32),
        item_nodes.astype(jnp.int32),
    )
    at = attr_tc(attribute_nodes.astype(jnp.int32),
                 attr_table.reshape(_KW, _DU))
    return (u, i, at.T)

# --- scband reference (transcript-rebuilt; emitter-appended) ---
"""Pipeline reference for scband-my-embedding-layer-4449586119505 (READ-ONLY COPY).

The authoritative reference and input builder live on the scoring server;
editing this copy changes nothing except your own understanding.
"""

import jax, jax.numpy as jnp
import numpy as np

N_USERS = 100000
N_ITEMS = 100000
N_ATTRS = 1000
NCAPS = 4
HIDDEN = 32
BATCH = 4096


def _xavier_normal(key, shape):
    fan_in, fan_out = shape[0], shape[1]
    std = float(np.sqrt(2.0 / (fan_in + fan_out)))
    return jax.random.normal(key, shape, dtype=jnp.float32) * std


def setup_inputs(seed: int = 0) -> dict:
    key = jax.random.key(seed)
    k1, k2, k3, k4, k5, k6 = jax.random.split(key, 6)
    user_nodes = jax.random.randint(k1, (BATCH,), 0, N_USERS, dtype=jnp.int64 if jax.config.jax_enable_x64 else jnp.int32)
    item_nodes = jax.random.randint(k2, (BATCH,), 0, N_ITEMS, dtype=jnp.int64 if jax.config.jax_enable_x64 else jnp.int32)
    attribute_nodes = jax.random.randint(k3, (BATCH,), 0, N_ATTRS, dtype=jnp.int64 if jax.config.jax_enable_x64 else jnp.int32)
    user_table = _xavier_normal(k4, (N_USERS, NCAPS * HIDDEN))
    item_table = _xavier_normal(k5, (N_ITEMS, NCAPS * HIDDEN))
    attr_table = _xavier_normal(k6, (N_ATTRS, HIDDEN))
    return {
        "user_table": user_table,
        "item_table": item_table,
        "attr_table": attr_table,
        "user_nodes": user_nodes,
        "item_nodes": item_nodes,
        "attribute_nodes": attribute_nodes,
    }


def reference(user_table, item_table, attr_table, user_nodes, item_nodes, attribute_nodes):
    user_emb = jnp.take(user_table, user_nodes, axis=0)
    item_emb = jnp.take(item_table, item_nodes, axis=0)
    attribute_emb = jnp.take(attr_table, attribute_nodes, axis=0)
    return (user_emb, item_emb, attribute_emb)

if __name__ == "__main__":
    import jax
    _d = setup_inputs()
    print(jax.jit(kernel)(*tuple(_d.values())))

</pallas_src>

<mosaic_0001>
#map = affine_map<(d0, d1) -> (0, 0)>
#map1 = affine_map<(d0, d1) -> (0)>
module attributes {stable_mosaic.version = 14 : i64} {
  func.func @emb(%arg0: i32, %arg1: i32, %arg2: memref<100000x128xf32, #tpu.memory_space<hbm>>, %arg3: memref<100000x128xf32, #tpu.memory_space<hbm>>, %arg4: memref<4096xi32, #tpu.memory_space<hbm>>, %arg5: memref<4096xi32, #tpu.memory_space<hbm>>, %arg6: memref<4096x128xf32, #tpu.memory_space<hbm>>, %arg7: memref<4096x128xf32, #tpu.memory_space<hbm>>, %arg8: memref<128xi32, #tpu.memory_space<vmem>>, %arg9: memref<128xi32, #tpu.memory_space<vmem>>, %arg10: memref<128x128xf32, #tpu.memory_space<vmem>>, %arg11: memref<128x128xf32, #tpu.memory_space<vmem>>, %arg12: memref<!tpu.dma_semaphore, #tpu.memory_space<semaphore_mem>>, %arg13: memref<!tpu.dma_semaphore, #tpu.memory_space<semaphore_mem>>, %arg14: memref<!tpu.dma_semaphore, #tpu.memory_space<semaphore_mem>>, %arg15: memref<!tpu.dma_semaphore, #tpu.memory_space<semaphore_mem>>) attributes {dimension_semantics = [#tpu.dimension_semantics<core_parallel>, #tpu.dimension_semantics<subcore_parallel>], iteration_bounds = array<i64: 2, 16>, scalar_prefetch = 0 : i64, scratch_operands = 8 : i64, tpu.core_type = #tpu.core_type<sc_vector_subcore>, window_params = [{transform_indices = #map}, {transform_indices = #map}, {transform_indices = #map1}, {transform_indices = #map1}, {transform_indices = #map}, {transform_indices = #map}]} {
    %mul3A = arith.constant 2 : i32
    %mul3A_0 = arith.muli %arg1, %mul3A : i32
    %add3A = arith.addi %mul3A_0, %arg0 : i32
    %mul3A_1 = arith.constant 128 : i32
    %mul3A_2 = arith.muli %add3A, %mul3A_1 : i32
    %dma_start3A = tpu.memref_slice %arg4[%mul3A_2] : memref<4096xi32, #tpu.memory_space<hbm>> -> memref<128xi32, #tpu.memory_space<hbm>>
    %dma_start3A_3 = tpu.memref_slice %arg4[%mul3A_2] : memref<4096xi32, #tpu.memory_space<hbm>> -> memref<128xi32, #tpu.memory_space<hbm>>
    tpu.enqueue_dma source(%dma_start3A_3 : memref<128xi32, #tpu.memory_space<hbm>>) target(%arg8 : memref<128xi32, #tpu.memory_space<vmem>>) target_semaphore(%arg14 : memref<!tpu.dma_semaphore, #tpu.memory_space<semaphore_mem>>)
    %dma_start3A_4 = tpu.memref_slice %arg5[%mul3A_2] : memref<4096xi32, #tpu.memory_space<hbm>> -> memref<128xi32, #tpu.memory_space<hbm>>
    %dma_start3A_5 = tpu.memref_slice %arg5[%mul3A_2] : memref<4096xi32, #tpu.memory_space<hbm>> -> memref<128xi32, #tpu.memory_space<hbm>>
    tpu.enqueue_dma source(%dma_start3A_5 : memref<128xi32, #tpu.memory_space<hbm>>) target(%arg9 : memref<128xi32, #tpu.memory_space<vmem>>) target_semaphore(%arg15 : memref<!tpu.dma_semaphore, #tpu.memory_space<semaphore_mem>>)
    %dma_wait3A = tpu.memref_slice %arg4[%mul3A_2] : memref<4096xi32, #tpu.memory_space<hbm>> -> memref<128xi32, #tpu.memory_space<hbm>>
    %dma_wait3A_6 = tpu.memref_slice %arg4[%mul3A_2] : memref<4096xi32, #tpu.memory_space<hbm>> -> memref<128xi32, #tpu.memory_space<hbm>>
    tpu.wait_dma2 semaphore(%arg14 : memref<!tpu.dma_semaphore, #tpu.memory_space<semaphore_mem>>) src(%dma_wait3A_6 : memref<128xi32, #tpu.memory_space<hbm>>) dst(%arg8 : memref<128xi32, #tpu.memory_space<vmem>>)
    %dma_start3A_7 = arith.constant 0 : i32
    %dma_start3A_8 = arith.constant 0 : i32
    %dma_start3A_9 = tpu.memref_slice %arg2[%dma_start3A_7, %dma_start3A_8] : memref<100000x128xf32, #tpu.memory_space<hbm>> -> memref<100000x128xf32, #tpu.memory_space<hbm>>
    tpu.enqueue_indirect_dma source(%dma_start3A_9 : memref<100000x128xf32, #tpu.memory_space<hbm>>) target(%arg10 : memref<128x128xf32, #tpu.memory_space<vmem>>) offsets(%arg8 : memref<128xi32, #tpu.memory_space<vmem>>) semaphore(%arg12 : memref<!tpu.dma_semaphore, #tpu.memory_space<semaphore_mem>>)
    %dma_wait3A_10 = tpu.memref_slice %arg5[%mul3A_2] : memref<4096xi32, #tpu.memory_space<hbm>> -> memref<128xi32, #tpu.memory_space<hbm>>
    %dma_wait3A_11 = tpu.memref_slice %arg5[%mul3A_2] : memref<4096xi32, #tpu.memory_space<hbm>> -> memref<128xi32, #tpu.memory_space<hbm>>
    tpu.wait_dma2 semaphore(%arg15 : memref<!tpu.dma_semaphore, #tpu.memory_space<semaphore_mem>>) src(%dma_wait3A_11 : memref<128xi32, #tpu.memory_space<hbm>>) dst(%arg9 : memref<128xi32, #tpu.memory_space<vmem>>)
    %dma_start3A_12 = arith.constant 0 : i32
    %dma_start3A_13 = arith.constant 0 : i32
    %dma_start3A_14 = tpu.memref_slice %arg3[%dma_start3A_12, %dma_start3A_13] : memref<100000x128xf32, #tpu.memory_space<hbm>> -> memref<100000x128xf32, #tpu.memory_space<hbm>>
    tpu.enqueue_indirect_dma source(%dma_start3A_14 : memref<100000x128xf32, #tpu.memory_space<hbm>>) target(%arg11 : memref<128x128xf32, #tpu.memory_space<vmem>>) offsets(%arg9 : memref<128xi32, #tpu.memory_space<vmem>>) semaphore(%arg13 : memref<!tpu.dma_semaphore, #tpu.memory_space<semaphore_mem>>)
    %dma_wait3A_15 = arith.constant 0 : i32
    %dma_wait3A_16 = arith.constant 0 : i32
    %dma_wait3A_17 = tpu.memref_slice %arg2[%dma_wait3A_15, %dma_wait3A_16] : memref<100000x128xf32, #tpu.memory_space<hbm>> -> memref<100000x128xf32, #tpu.memory_space<hbm>>
    tpu.wait_indirect_dma semaphore(%arg12 : memref<!tpu.dma_semaphore, #tpu.memory_space<semaphore_mem>>) src(%dma_wait3A_17 : memref<100000x128xf32, #tpu.memory_space<hbm>>) dst(%arg10 : memref<128x128xf32, #tpu.memory_space<vmem>>)
    "tpu.region"() ({
      %run_scoped3A = tpu.sem_alloc : memref<!tpu.dma_semaphore, #tpu.memory_space<semaphore_mem>>
      %dma_start3A_21 = arith.constant 0 : i32
      %dma_start3A_22 = tpu.memref_slice %arg6[%mul3A_2, %dma_start3A_21] : memref<4096x128xf32, #tpu.memory_space<hbm>> -> memref<128x128xf32, #tpu.memory_space<hbm>>
      %dma_start3A_23 = arith.constant 0 : i32
      %dma_start3A_24 = tpu.memref_slice %arg6[%mul3A_2, %dma_start3A_23] : memref<4096x128xf32, #tpu.memory_space<hbm>> -> memref<128x128xf32, #tpu.memory_space<hbm>>
      tpu.enqueue_dma source(%arg10 : memref<128x128xf32, #tpu.memory_space<vmem>>) target(%dma_start3A_24 : memref<128x128xf32, #tpu.memory_space<hbm>>) target_semaphore(%run_scoped3A : memref<!tpu.dma_semaphore, #tpu.memory_space<semaphore_mem>>)
      %dma_wait3A_25 = arith.constant 0 : i32
      %dma_wait3A_26 = tpu.memref_slice %arg6[%mul3A_2, %dma_wait3A_25] : memref<4096x128xf32, #tpu.memory_space<hbm>> -> memref<128x128xf32, #tpu.memory_space<hbm>>
      %dma_wait3A_27 = arith.constant 0 : i32
      %dma_wait3A_28 = tpu.memref_slice %arg6[%mul3A_2, %dma_wait3A_27] : memref<4096x128xf32, #tpu.memory_space<hbm>> -> memref<128x128xf32, #tpu.memory_space<hbm>>
      tpu.wait_dma2 semaphore(%run_scoped3A : memref<!tpu.dma_semaphore, #tpu.memory_space<semaphore_mem>>) src(%arg10 : memref<128x128xf32, #tpu.memory_space<vmem>>) dst(%dma_wait3A_28 : memref<128x128xf32, #tpu.memory_space<hbm>>)
      tpu.yield
    }) : () -> ()
    %dma_wait3A_18 = arith.constant 0 : i32
    %dma_wait3A_19 = arith.constant 0 : i32
    %dma_wait3A_20 = tpu.memref_slice %arg3[%dma_wait3A_18, %dma_wait3A_19] : memref<100000x128xf32, #tpu.memory_space<hbm>> -> memref<100000x128xf32, #tpu.memory_space<hbm>>
    tpu.wait_indirect_dma semaphore(%arg13 : memref<!tpu.dma_semaphore, #tpu.memory_space<semaphore_mem>>) src(%dma_wait3A_20 : memref<100000x128xf32, #tpu.memory_space<hbm>>) dst(%arg11 : memref<128x128xf32, #tpu.memory_space<vmem>>)
    "tpu.region"() ({
      %run_scoped3A = tpu.sem_alloc : memref<!tpu.dma_semaphore, #tpu.memory_space<semaphore_mem>>
      %dma_start3A_21 = arith.constant 0 : i32
      %dma_start3A_22 = tpu.memref_slice %arg7[%mul3A_2, %dma_start3A_21] : memref<4096x128xf32, #tpu.memory_space<hbm>> -> memref<128x128xf32, #tpu.memory_space<hbm>>
      %dma_start3A_23 = arith.constant 0 : i32
      %dma_start3A_24 = tpu.memref_slice %arg7[%mul3A_2, %dma_start3A_23] : memref<4096x128xf32, #tpu.memory_space<hbm>> -> memref<128x128xf32, #tpu.memory_space<hbm>>
      tpu.enqueue_dma source(%arg11 : memref<128x128xf32, #tpu.memory_space<vmem>>) target(%dma_start3A_24 : memref<128x128xf32, #tpu.memory_space<hbm>>) target_semaphore(%run_scoped3A : memref<!tpu.dma_semaphore, #tpu.memory_space<semaphore_mem>>)
      %dma_wait3A_25 = arith.constant 0 : i32
      %dma_wait3A_26 = tpu.memref_slice %arg7[%mul3A_2, %dma_wait3A_25] : memref<4096x128xf32, #tpu.memory_space<hbm>> -> memref<128x128xf32, #tpu.memory_space<hbm>>
      %dma_wait3A_27 = arith.constant 0 : i32
      %dma_wait3A_28 = tpu.memref_slice %arg7[%mul3A_2, %dma_wait3A_27] : memref<4096x128xf32, #tpu.memory_space<hbm>> -> memref<128x128xf32, #tpu.memory_space<hbm>>
      tpu.wait_dma2 semaphore(%run_scoped3A : memref<!tpu.dma_semaphore, #tpu.memory_space<semaphore_mem>>) src(%arg11 : memref<128x128xf32, #tpu.memory_space<vmem>>) dst(%dma_wait3A_28 : memref<128x128xf32, #tpu.memory_space<hbm>>)
      tpu.yield
    }) : () -> ()
    return
  }
}

module attributes {stable_mosaic.version = 14 : i64} {
  func.func @_attr_body(%arg0: memref<4096xi32, #tpu.memory_space<vmem>>, %arg1: memref<250x128xf32, #tpu.memory_space<vmem>>, %arg2: memref<32x4096xf32, #tpu.memory_space<vmem>>) attributes {dimension_semantics = [], scalar_prefetch = 0 : i64, scratch_operands = 0 : i64, tpu.core_type = #tpu.core_type<tc>} {
    %get3A = arith.constant 0 : index
    %get3A_0 = vector.load %arg0[%get3A] : memref<4096xi32, #tpu.memory_space<vmem>>, vector<4096xi32>
    %shift_right_logical3A = arith.constant 2 : i32
    %shift_right_logical3A_1 = vector.broadcast %shift_right_logical3A : i32 to vector<4096xi32>
    %shift_right_logical3A_2 = arith.shrui %get3A_0, %shift_right_logical3A_1 : vector<4096xi32>
    %and3A = arith.constant 3 : i32
    %and3A_3 = vector.broadcast %and3A : i32 to vector<4096xi32>
    %and3A_4 = arith.andi %get3A_0, %and3A_3 : vector<4096xi32>
    %iota3A = tpu.iota {dimensions = array<i32: 0>} : vector<250x4096xi32>
    %broadcast_in_dim3A = vector.shape_cast %shift_right_logical3A_2 : vector<4096xi32> to vector<1x4096xi32>
    %eq3A = vector.broadcast %broadcast_in_dim3A : vector<1x4096xi32> to vector<250x4096xi32>
    %eq3A_5 = arith.cmpi eq, %iota3A, %eq3A : vector<250x4096xi32>
    %convert_element_type3A = arith.extui %eq3A_5 : vector<250x4096xi1> to vector<250x4096xi32>
    %convert_element_type3A_6 = arith.sitofp %convert_element_type3A : vector<250x4096xi32> to vector<250x4096xf32>
    %get3A_7 = arith.constant 0 : index
    %get3A_8 = arith.constant 0 : index
    %get3A_9 = vector.load %arg1[%get3A_7, %get3A_8] : memref<250x128xf32, #tpu.memory_space<vmem>>, vector<250x128xf32>
    %transpose3A = tpu.transpose %get3A_9, [1, 0] : vector<250x128xf32> -> vector<128x250xf32>
    %dot_general3A = arith.constant dense<0.000000e+00> : vector<128x4096xf32>
    %dot_general3A_10 = tpu.matmul %transpose3A, %convert_element_type3A_6, %dot_general3A {dimension_numbers = #tpu.dot_dimension_numbers<[1], [0], [0], [1], [0, 0, 1, 1], [], []>, precision = #tpu.contract_precision<fp32>, transpose_lhs_hint = false} : vector<128x250xf32>, vector<250x4096xf32>, vector<128x4096xf32> -> vector<128x4096xf32>
    %broadcast_in_dim3A_11 = arith.constant 0.000000e+00 : f32
    %broadcast_in_dim3A_12 = vector.broadcast %broadcast_in_dim3A_11 : f32 to vector<32x4096xf32>
    %eq3A_13 = arith.constant 0 : i32
    %eq3A_14 = vector.broadcast %eq3A_13 : i32 to vector<4096xi32>
    %eq3A_15 = arith.cmpi eq, %and3A_4, %eq3A_14 : vector<4096xi32>
    %convert_element_type3A_16 = arith.extui %eq3A_15 : vector<4096xi1> to vector<4096xi32>
    %convert_element_type3A_17 = arith.sitofp %convert_element_type3A_16 : vector<4096xi32> to vector<4096xf32>
    %broadcast_in_dim3A_18 = vector.shape_cast %convert_element_type3A_17 : vector<4096xf32> to vector<1x4096xf32>
    %slice3A = vector.extract_strided_slice %dot_general3A_10 {offsets = [0, 0], sizes = [32, 4096], strides = [1, 1]} : vector<128x4096xf32> to vector<32x4096xf32>
    %mul3A = vector.broadcast %broadcast_in_dim3A_18 : vector<1x4096xf32> to vector<32x4096xf32>
    %mul3A_19 = arith.mulf %mul3A, %slice3A : vector<32x4096xf32>
    %add3A = arith.addf %broadcast_in_dim3A_12, %mul3A_19 : vector<32x4096xf32>
    %eq3A_20 = arith.constant 1 : i32
    %eq3A_21 = vector.broadcast %eq3A_20 : i32 to vector<4096xi32>
    %eq3A_22 = arith.cmpi eq, %and3A_4, %eq3A_21 : vector<4096xi32>
    %convert_element_type3A_23 = arith.extui %eq3A_22 : vector<4096xi1> to vector<4096xi32>
    %convert_element_type3A_24 = arith.sitofp %convert_element_type3A_23 : vector<4096xi32> to vector<4096xf32>
    %broadcast_in_dim3A_25 = vector.shape_cast %convert_element_type3A_24 : vector<4096xf32> to vector<1x4096xf32>
    %slice3A_26 = vector.extract_strided_slice %dot_general3A_10 {offsets = [32, 0], sizes = [32, 4096], strides = [1, 1]} : vector<128x4096xf32> to vector<32x4096xf32>
    %mul3A_27 = vector.broadcast %broadcast_in_dim3A_25 : vector<1x4096xf32> to vector<32x4096xf32>
    %mul3A_28 = arith.mulf %mul3A_27, %slice3A_26 : vector<32x4096xf32>
    %add3A_29 = arith.addf %add3A, %mul3A_28 : vector<32x4096xf32>
    %eq3A_30 = arith.constant 2 : i32
    %eq3A_31 = vector.broadcast %eq3A_30 : i32 to vector<4096xi32>
    %eq3A_32 = arith.cmpi eq, %and3A_4, %eq3A_31 : vector<4096xi32>
    %convert_element_type3A_33 = arith.extui %eq3A_32 : vector<4096xi1> to vector<4096xi32>
    %convert_element_type3A_34 = arith.sitofp %convert_element_type3A_33 : vector<4096xi32> to vector<4096xf32>
    %broadcast_in_dim3A_35 = vector.shape_cast %convert_element_type3A_34 : vector<4096xf32> to vector<1x4096xf32>
    %slice3A_36 = vector.extract_strided_slice %dot_general3A_10 {offsets = [64, 0], sizes = [32, 4096], strides = [1, 1]} : vector<128x4096xf32> to vector<32x4096xf32>
    %mul3A_37 = vector.broadcast %broadcast_in_dim3A_35 : vector<1x4096xf32> to vector<32x4096xf32>
    %mul3A_38 = arith.mulf %mul3A_37, %slice3A_36 : vector<32x4096xf32>
    %add3A_39 = arith.addf %add3A_29, %mul3A_38 : vector<32x4096xf32>
    %eq3A_40 = arith.constant 3 : i32
    %eq3A_41 = vector.broadcast %eq3A_40 : i32 to vector<4096xi32>
    %eq3A_42 = arith.cmpi eq, %and3A_4, %eq3A_41 : vector<4096xi32>
    %convert_element_type3A_43 = arith.extui %eq3A_42 : vector<4096xi1> to vector<4096xi32>
    %convert_element_type3A_44 = arith.sitofp %convert_element_type3A_43 : vector<4096xi32> to vector<4096xf32>
    %broadcast_in_dim3A_45 = vector.shape_cast %convert_element_type3A_44 : vector<4096xf32> to vector<1x4096xf32>
    %slice3A_46 = vector.extract_strided_slice %dot_general3A_10 {offsets = [96, 0], sizes = [32, 4096], strides = [1, 1]} : vector<128x4096xf32> to vector<32x4096xf32>
    %mul3A_47 = vector.broadcast %broadcast_in_dim3A_45 : vector<1x4096xf32> to vector<32x4096xf32>
    %mul3A_48 = arith.mulf %mul3A_47, %slice3A_46 : vector<32x4096xf32>
    %add3A_49 = arith.addf %add3A_39, %mul3A_48 : vector<32x4096xf32>
    %swap3A = arith.constant 0 : index
    %swap3A_50 = arith.constant 0 : index
    %swap3A_51 = vector.load %arg2[%swap3A, %swap3A_50] : memref<32x4096xf32, #tpu.memory_space<vmem>>, vector<32x4096xf32>
    tpu.vector_store %arg2[%swap3A, %swap3A_50], %add3A_49 {strides = array<i32>} : memref<32x4096xf32, #tpu.memory_space<vmem>>, vector<32x4096xf32>,
    return
  }
}

</mosaic_0001>

<sc_bundles>
// kernel: kernel.4.cloned.1.call-start
scs
__scs_entry_jumppad:
0x0: {  	(pc) =	sbr.rel $0x88, $3  }
0x1: {  	(tag) =	ssettag $0x0;
	lr =	simm.s32 $0x1  }
0x2: {  	[smem:$0x3F9B] =	sst lr;
	_ =	strace $0xD0000000  }
0x3: {  	_ = 	snop  }
0x4: {  	_ = 	snop  }
0x5: {  	_ = 	snop  }
0x6: {  	_ = 	snop  }
0x7: {  	_ = 	snop  }
__scs_overlays_trampoline_lowered:
0x8: {  	[smem:$0x3FAA] =	sst s0  }
0x9: {  	[smem:$0x3FAB] =	sst s1  }
0xa: {  	[smem:$0x3FAC] =	sst s2  }
0xb: {  	[smem:$0x3FAD] =	sst s3  }
0xc: {  	[smem:$0x3FAE] =	sst s4  }
0xd: {  	[smem:$0x3FAF] =	sst s5  }
0xe: {  	[smem:$0x3FB0] =	sst s6  }
0xf: {  	[smem:$0x3FB1] =	sst s7  }
0x10: {  	[smem:$0x3FB2] =	sst s8  }
0x11: {  	[smem:$0x3FB3] =	sst s9;
	s0 =	simm.s32 @!p0 $0x0  }
0x12: {  	s1 =	sld [smem:$0x3F99];
	s0 =	simm.s32 @p0 $0x1  }
0x13: {  	[smem:$0x3FB4] =	sst s0;
	s0 =	simm.s32 @!p1 $0x0  }
0x14: {  	s2 =	sld [smem:$0x3F98];
	s0 =	simm.s32 @p1 $0x1  }
0x15: {  	[smem:$0x3FB5] =	sst s0;
	s0 =	simm.s32 @!p2 $0x0  }
0x16: {  	s3 =	sld [smem:$0x3FDB];
	s0 =	simm.s32 @p2 $0x1  }
0x17: {  	s4 =	simm.s32 $0x1BF5;
	[smem:$0x3FB7] =	sst s0  }
0x18: {  	s0 =	sld [smem:$0x3F9A];
	_ =	swait.ge [sflag:s4], $0x0  }
0x19: {  	s7 =	sld [smem:$0x3F9B]  }
0x1a: {  	s8 =	sadd.s32 $0xFFFFE003, lr  }
0x1b: {  	s9 =	sadd.s32 $0xFFFFFEF7, lr;
	s5 =	simm.s32 $0xFFFFFFFF;
	p2 =	slt.u32 s8, $0xFFFFF086  }
0x1c: {  	p1 =	slt.u32 s9, $0xF7A;
	s5 =	simm.s32 @!p2 $0x0  }
0x1d: {  	s5 =	simm.s32 @p1 $0x1;
	p0 =	seq.s32 s7, s2  }
0x1e: {  	s7 =	smul.u32 @!p0 $0xF7A, s2;
	p2 =	seq.s32 @!p0 s5, $0x0  }
0x1f: {  	s9 =	smul.u32 $0xF7A, s1;
	s8 =	simm.s32 @!p0 $0x1BF5;
	p2 =	por !p2, p0  }
0x20: {  	[sflag:s8] =	ssyncset.s32 @!p0 $0xFFFFF086;
	s6 =	sadd.s32 @!p0 s3, s7;
	s7 =	simm.s32 @!p0 $0x108  }
0x21: {  	s3 =	sadd.s32 s3, s9;
	s6 =	sadd.s32 @!p0 $0x88, s6;
	s7 =	simm.s32 @p2 $0x1082  }
0x22: {  	[simem:s7], [sflag:s8] =	dma.local @!p0 [hbm:s6], $0xF7A  }
0x23: {  	s9 =	sor.u32 $0xD0000000, s2;
	s6 =	simm.s32 $0x108;
	_ =	swait.ge @!p0 [sflag:s8], $0x0  }
0x24: {  	s3 =	sadd.s32 $0x88, s3;
	s6 =	simm.s32 @!p1 $0x1082;
	[sflag:s4] =	ssyncset.s32 $0xFFFFF086  }
0x25: {  	[simem:s6], [sflag:s4] =	dma.local [hbm:s3], $0xF7A  }
0x26: {  	[smem:$0x3F9B] =	sst s1;
	(tag) =	ssettag s2;
	_ =	strace s9  }
0x27: {  	s1 =	sld [smem:$0x3FAB]  }
0x28: {  	s2 =	sld [smem:$0x3FAC]  }
0x29: {  	s4 =	sld [smem:$0x3FAE]  }
0x2a: {  	p0 =	seq.s32 s5, $0x0;
	s5 =	sld [smem:$0x3FAF]  }
0x2b: {  	s6 =	sld [smem:$0x3FB0]  }
0x2c: {  	s7 =	sld [smem:$0x3FB1]  }
0x2d: {  	s3 =	simm.s32 $0x108;
	s8 =	sld [smem:$0x3FB2]  }
0x2e: {  	s3 =	simm.s32 @!p0 $0x1082;
	s9 =	sld [smem:$0x3FB3]  }
0x2f: {  	lr =	sadd.s32 s0, s3;
	s0 =	sld [smem:$0x3FAA]  }
0x30: {  	s3 =	sld [smem:$0x3FAD]  }
0x31: {  	[smem:$0x3FB6] =	sst s10  }
0x32: {  	s10 =	sld [smem:$0x3FB4];
	_ =	sdelay $0x3  }
0x33: {  	p0 =	seq.s32 s10, $0x1;
	s10 =	sld [smem:$0x3FB6];
	_ =	sdelay $0x3  }
0x34: {  	[smem:$0x3FB6] =	sst s10  }
0x35: {  	s10 =	sld [smem:$0x3FB5];
	_ =	sdelay $0x3  }
0x36: {  	p1 =	seq.s32 s10, $0x1;
	s10 =	sld [smem:$0x3FB6];
	_ =	sdelay $0x3  }
0x37: {  	[smem:$0x3FB6] =	sst s10  }
0x38: {  	s10 =	sld [smem:$0x3FB7]  }
0x39: {  	_ = 	snop;
	(pc) =	sbr.ind lr, $3  }
0x3a: {  	_ = 	snop  }
0x3b: {  	_ = 	snop  }
0x3c: {  	p2 =	seq.s32 s10, $0x1;
	s10 =	sld [smem:$0x3FB6]  }
0x3d: {  	_ =	shalt  }
0x3e: {  	_ =	shalt  }
0x3f: {  	_ =	shalt  }
0x40: {  	_ =	shalt  }
0x41: {  	_ =	shalt  }
0x42: {  	_ =	shalt  }
0x43: {  	_ =	shalt  }
0x44: {  	_ =	shalt  }
0x45: {  	_ =	shalt  }
0x46: {  	_ =	shalt  }
0x47: {  	_ =	shalt  }
0x48: {  	_ =	shalt  }
0x49: {  	_ =	shalt  }
0x4a: {  	_ =	shalt  }
0x4b: {  	_ =	shalt  }
0x4c: {  	_ =	shalt  }
0x4d: {  	_ =	shalt  }
0x4e: {  	_ =	shalt  }
0x4f: {  	_ =	shalt  }
0x50: {  	_ =	shalt  }
0x51: {  	_ =	shalt  }
0x52: {  	_ =	shalt  }
0x53: {  	_ =	shalt  }
0x54: {  	_ =	shalt  }
0x55: {  	_ =	shalt  }
0x56: {  	_ =	shalt  }
0x57: {  	_ =	shalt  }
0x58: {  	_ =	shalt  }
0x59: {  	_ =	shalt  }
0x5a: {  	_ =	shalt  }
0x5b: {  	_ =	shalt  }
0x5c: {  	_ =	shalt  }
0x5d: {  	_ =	shalt  }
0x5e: {  	_ =	shalt  }
0x5f: {  	_ =	shalt  }
0x60: {  	_ =	shalt  }
0x61: {  	_ =	shalt  }
0x62: {  	_ =	shalt  }
0x63: {  	_ =	shalt  }
0x64: {  	_ =	shalt  }
0x65: {  	_ =	shalt  }
0x66: {  	_ =	shalt  }
0x67: {  	_ =	shalt  }
0x68: {  	_ =	shalt  }
0x69: {  	_ =	shalt  }
0x6a: {  	_ =	shalt  }
0x6b: {  	_ =	shalt  }
0x6c: {  	_ =	shalt  }
0x6d: {  	_ =	shalt  }
0x6e: {  	_ =	shalt  }
0x6f: {  	_ =	shalt  }
0x70: {  	_ =	shalt  }
0x71: {  	_ =	shalt  }
0x72: {  	_ =	shalt  }
0x73: {  	_ =	shalt  }
0x74: {  	_ =	shalt  }
0x75: {  	_ =	shalt  }
0x76: {  	_ =	shalt  }
0x77: {  	_ =	shalt  }
0x78: {  	_ =	shalt  }
0x79: {  	_ =	shalt  }
0x7a: {  	_ =	shalt  }
0x7b: {  	_ =	shalt  }
0x7c: {  	_ =	shalt  }
0x7d: {  	_ =	shalt  }
0x7e: {  	_ =	shalt  }
0x7f: {  	_ =	shalt  }
0x80: {  	_ =	shalt  }
0x81: {  	_ =	shalt  }
0x82: {  	_ =	shalt  }
0x83: {  	_ =	shalt  }
0x84: {  	_ =	shalt  }
0x85: {  	_ =	shalt  }
0x86: {  	_ =	shalt  }
0x87: {  	_ =	shalt  }
.Lfunc_end0:
.L_simem_size_0:
called_computation_lowered:
.L_overlay_start_0:
0x88: {  	s2 =	sld [smem:$0x3FD9]  }
0x89: {  	s3 =	sld [smem:$0x3FFE];
	_ =	sdelay $0x1  }
0x8a: {  	s1 =	srdreg.scid  }
0x8b: {  	s0 =	sand.u32 $0x1, s1  }
0x8c: {  	s15 =	sshll.u32 s0, $0xA;
	s2 =	sadd.s32 s3, s2  }
0x8d: {  	s2 =	sadd.s32 s2, s15  }
0x8e: {  	[smem:$0x3FC2] =	sst s2  }
0x8f: {  	_ = 	snop  }
0x90: {  	s2 =	sld [smem:$0x3FC9]  }
0x91: {  	s16 =	sld [smem:$0x3FD0]  }
0x92: {  	s4 =	sld [smem:$0x3FC8]  }
0x93: {  	s5 =	sld [smem:$0x3FC6]  }
0x94: {  	s7 =	simm.s32 $0xA;
	s8 =	simm.s32 $0x10;
	s6 =	sld [smem:$0x3FC5]  }
0x95: {  	[smem:s8], [sflag:s7] =	dma.local [hbm:s16], $0x1  }
0x96: {  	_ =	swait.eq [sflag:s7], $0x1  }
0x97: {  	[sflag:s7] =	ssyncset.done $0x0  }
0x98: {  	s17 =	sld [smem:$0x10];
	[sflag:s7] =	ssyncadd.s32 $0xFFFFFFFF  }
0x99: {  	s18 =	sld [smem:$0x11];
	(tm) =	ssettm $0x1  }
0x9a: {  	s19 =	sld [smem:$0x3FFB];
	_ =	sdelay $0x3  }
0x9b: {  	_ =	strace s19  }
0x9c: {  	s8 =	sld [smem:$0x3FFC];
	_ =	sdelay $0x3  }
0x9d: {  	_ =	strace s8  }
0x9e: {  	s8 =	sld [smem:$0x3FFD];
	_ =	sdelay $0x3  }
0x9f: {  	_ =	strace s8  }
0xa0: {  	_ =	strace $0x8FFFFFFF  }
0xa1: {  	s20 =	sld [smem:$0x3FDB];
	_ =	sdelay $0x1  }
0xa2: {  	s9 =	simm.s32 $_scs_section_size  }
0xa3: {  	s10 =	simm.s32 $_size__tile_overlayer_lowered;
	s11 =	simm.s32 $_tile_overlayer_lowered  }
0xa4: {  	s23 =	simm.s32 $0x1BFF;
	s22 =	sshll.u32 s11, $0x1;
	s8 =	sadd.s32 s9, s20  }
0xa5: {  	s12 =	simm.s32 $0x0;
	s21 =	sshll.u32 s10, $0x1;
	s10 =	sadd.s32 s22, s8  }
0xa6: {  	[timem:s12], [sflag:s23] =	dma.local [hbm:s10], s21  }
0xa7: {  	_ =	swait.ge [sflag:s23], s21  }
0xa8: {  	s9 =	ssub.s32 $0x0, s21;
	[sflag:s23] =	ssyncset.done $0x0  }
0xa9: {  	[sflag:s23] =	ssyncadd.s32 s9;
	_ =	sdelay $0x1  }
0xaa: {  	s24 =	simm.s32 $0x1B8B  }
0xab: {  	_ =	swait.ge [sflag:s24], $0x1  }
0xac: {  	[sflag:s24] =	ssyncset.done $0x0  }
0xad: {  	s25 =	simm.s32 $0x1B8E;
	[sflag:s24] =	ssyncadd.s32 $0xFFFFFFFF  }
0xae: {  	s26 =	simm.s32 $execute0_lowered;
	[smem:$0x3FD2] =	sst s25  }
0xaf: {  	s9 =	sshll.u32 s26, $0x1;
	_ =	strace $0x80000046;
	[dreg:$0x1] =	wrdreg $0xFFFFFFFF  }
0xb0: {  	s28 =	simm.s32 $_size_execute0_lowered;
	s8 =	sadd.s32 s8, s9;
	[dreg:$0x0] =	wrdreg $0x0  }
0xb1: {  	s9 =	sshll.u32 s28, $0x1;
	[dreg:$0x2] =	wrdreg s8  }
0xb2: {  	[dreg:$0x3] =	wrdreg s9  }
0xb3: {  	[dreg:$0x4] =	wrdreg $0xC0  }
0xb4: {  	_ =	task [dreg:s12], $0x5FFFF  }
0xb5: {  	[dreg:$0x1] =	wrdreg $0xFFFFFFFF  }
0xb6: {  	[dreg:$0x0] =	wrdreg $0x60  }
0xb7: {  	[dreg:$0x2] =	wrdreg s2  }
0xb8: {  	[dreg:$0x3] =	wrdreg s4  }
0xb9: {  	[dreg:$0x4] =	wrdreg s5  }
0xba: {  	[dreg:$0x5] =	wrdreg s6  }
0xbb: {  	[dreg:$0x6] =	wrdreg s17  }
0xbc: {  	[dreg:$0x7] =	wrdreg s18  }
0xbd: {  	[dreg:$0x8] =	wrdreg $0x9  }
0xbe: {  	_ =	task.clear_ibuf [dreg:s12], $0x9FFFF;
	_ =	strace $0x90000046  }
0xbf: {  	s29 =	simm.s32 $0x9;
	_ =	strace $0x80000048  }
0xc0: {  	_ =	swait.ge [sflag:s29], $0x1  }
0xc1: {  	[sflag:s29] =	ssyncadd.s32 $0xFFFFFFFF  }
0xc2: {  	_ =	strace $0x90000048  }
0xc3: {  	_ =	sfence  }
0xc4: {  	s30 =	sld [smem:$0x0];
	_ =	sdelay $0x2  }
0xc5: {  	s31 =	sshll.u32 s1, $0xD;
	s1 =	sshrl.u32 s1, $0x2  }
0xc6: {  	s3 =	sand.u32 $0x4000, s31;
	s1 =	sadd.s32 s1, s30  }
0xc7: {  	s0 =	sor.u32 s3, s0;
	s1 =	sshll.u32 s1, $0x11  }
0xc8: {  	s0 =	sor.u32 s1, s0  }
0xc9: {  	s0 =	sadd.s32 $0x8F2B, s0  }
0xca: {  	[sflag:s0] =	ssyncadd.remote.s32 $0x1  }
0xcb: {  	_ =	sfence.sel $0xFFFF  }
0xcc: {  	[dreg:$0x0] =	wrdreg $0xFFFFFFFF;
	(pc) =	sbr.abs _section_cstart, $3  }
0xcd: {  	[dreg:$0x1] =	wrdreg $0xFFFFFFFF  }
0xce: {  	_ =	task.clear_ibuf [dreg:s12], $0x2FFFF;
	_ =	strace $0x9FFFFFFF  }
0xcf: {  	(tm) =	ssettm $0x7FFFFFFF  }
tec
execute0_lowered:
.L_overlay_start_1:
0x0: {  	(tag) =	ssettag $0x1  }
0x1: {  	s0 =	rddreg [dreg:$0x0]  }
0x2: {  	s2 =	rddreg [dreg:$0x1]  }
0x3: {  	s5 =	rddreg [dreg:$0x2];
	s3 =	srdreg.scid  }
0x4: {  	s6 =	rddreg [dreg:$0x3];
	s1 =	stileid.u32;
	s15 =	sand.u32 $0x1, s3  }
0x5: {  	s13 =	rddreg [dreg:$0x4];
	s7 =	sshll.u32 s1, $0x8;
	s8 =	sshll.u32 s15, $0x7  }
0x6: {  	s16 =	rddreg [dreg:$0x5];
	s4 =	simm.s32 $0x0;
	s14 =	sor.u32 s8, s7  }
0x7: {  	[smem:$0x7FF] =	sst s4;
	s7 =	sshrl.u32 s14, $0x3  }
0x8: {  	s3 =	rddreg [dreg:$0x6];
	_ =	strace $0x80000047;
	s5 =	sadd.s32 s5, s7  }
0x9: {  	[tilespmem:s4], [sflag:$0x3] =	stream.linear.gather [hbm4b:s5+s4], $0x80, $0x38;
	[tilespmem:$0x8100] =	vst v63  }
0xa: {  	s8 =	simm.s32 $0x3;
	s6 =	sadd.s32 s6, s7;
	s7 =	simm.s32 $0x80  }
0xb: {  	[tilespmem:s7], [sflag:$0x4] =	stream.linear.gather [hbm4b:s6+s4], $0x80, $0x38;
	[tilespmem:$0x8100] =	vst v63  }
0xc: {  	_ =	swait.ge [sflag:s8], $0x80  }
0xd: {  	[sflag:s8] =	ssyncset.done $0x0  }
0xe: {  	s9 =	simm.s32 $0x100;
	s10 =	simm.s32 $0x4;
	[sflag:s8] =	ssyncadd.s32 $0xFFFFFF80  }
0xf: {  	[tilespmem:s9], [sflag:$0x1] =	stream.indirect.gather [hbm4b:s0+s7], $0x80, s4, s7, $0xb8;
	[tilespmem:$0x8100] =	vst v63  }
0x10: {  	_ =	swait.ge [sflag:s10], $0x80  }
0x11: {  	[sflag:s10] =	ssyncset.done $0x0  }
0x12: {  	s11 =	simm.s32 $0x4100;
	s12 =	simm.s32 $0x1;
	[sflag:s10] =	ssyncadd.s32 $0xFFFFFF80  }
0x13: {  	[tilespmem:s11], [sflag:$0x2] =	stream.indirect.gather [hbm4b:s2+s7], $0x80, s7, s7, $0xb8;
	[tilespmem:$0x8100] =	vst v63  }
0x14: {  	_ =	swait.ge [sflag:s12], $0x4000  }
0x15: {  	s18 =	ssub.s32 $0x2, s15;
	s17 =	sshll.u32 s14, $0x4;
	[sflag:s12] =	ssyncset.done $0x0  }
0x16: {  	s14 =	sadd.s32 s13, s17;
	s13 =	simm.s32 $0x5;
	[sflag:s12] =	ssyncadd.s32 $0xFFFFC000  }
0x17: {  	[hbm4b:s14+s4] =	stream.linear.scatter [tilespmem:s9], [sflag:$0x5], $0x4000, $0x38;
	[tilespmem:$0x8100] =	vst v63  }
0x18: {  	s19 =	sshrl.u32 s18, $0x1;
	_ =	swait.ge [sflag:s13], $0x4000  }
0x19: {  	s18 =	ssub.s32 s18, s19;
	[sflag:s13] =	ssyncset.done $0x0  }
0x1a: {  	s15 =	simm.s32 $0x2;
	s31 =	smax.u32 s18, $0x1;
	[sflag:s13] =	ssyncadd.s32 $0xFFFFC000  }
0x1b: {  	p0 =	sne.s32 s31, $0x1;
	_ =	swait.ge [sflag:s15], $0x4000  }
.Ltmp0:
0x1c: {  	[sflag:s15] =	ssyncset.done $0x0;
	(pc) =	sbr.rel @!p0 .LBB2_2-.Ltmp0, $4  }
0x1d: {  	s16 =	sadd.s32 s16, s17;
	[sflag:s15] =	ssyncadd.s32 $0xFFFFC000  }
0x1e: {  	[hbm4b:s16+s4] =	stream.linear.scatter [tilespmem:s11], [sflag:$0x5], $0x4000, $0x38;
	[tilespmem:$0x8100] =	vst v63  }
0x1f: {  	_ =	swait.ge [sflag:s13], $0x4000  }
0x20: {  	s17 =	sadd.s32 $0xFFFFFFFF, s31;
	[sflag:s13] =	ssyncset.done $0x0  }
.LBB2_1:
0x21: {  	p0 =	sne.s32 s17, $0x1;
	s17 =	sadd.s32 $0xFFFFFFFF, s17;
	[sflag:s13] =	ssyncadd.s32 $0xFFFFC000  }
0x22: {  	[tilespmem:s4], [sflag:$0x3] =	stream.linear.gather [hbm4b:s5+s4], $0x80, $0x38;
	[tilespmem:$0x8100] =	vst v63  }
0x23: {  	_ = 	snop  }
0x24: {  	[tilespmem:s7], [sflag:$0x4] =	stream.linear.gather [hbm4b:s6+s4], $0x80, $0x38;
	[tilespmem:$0x8100] =	vst v63  }
0x25: {  	_ =	swait.ge [sflag:s8], $0x80  }
0x26: {  	[sflag:s8] =	ssyncset.done $0x0  }
0x27: {  	[sflag:s8] =	ssyncadd.s32 $0xFFFFFF80  }
0x28: {  	[tilespmem:s9], [sflag:$0x1] =	stream.indirect.gather [hbm4b:s0+s7], $0x80, s4, s7, $0xb8;
	[tilespmem:$0x8100] =	vst v63  }
0x29: {  	_ =	swait.ge [sflag:s10], $0x80  }
0x2a: {  	[sflag:s10] =	ssyncset.done $0x0  }
0x2b: {  	[sflag:s10] =	ssyncadd.s32 $0xFFFFFF80  }
0x2c: {  	[tilespmem:s11], [sflag:$0x2] =	stream.indirect.gather [hbm4b:s2+s7], $0x80, s7, s7, $0xb8;
	[tilespmem:$0x8100] =	vst v63  }
0x2d: {  	_ =	swait.ge [sflag:s12], $0x4000  }
0x2e: {  	[sflag:s12] =	ssyncset.done $0x0  }
0x2f: {  	[sflag:s12] =	ssyncadd.s32 $0xFFFFC000  }
0x30: {  	[hbm4b:s14+s4] =	stream.linear.scatter [tilespmem:s9], [sflag:$0x5], $0x4000, $0x38;
	[tilespmem:$0x8100] =	vst v63  }
0x31: {  	_ =	swait.ge [sflag:s13], $0x4000  }
0x32: {  	[sflag:s13] =	ssyncset.done $0x0  }
0x33: {  	[sflag:s13] =	ssyncadd.s32 $0xFFFFC000  }
0x34: {  	_ =	swait.ge [sflag:s15], $0x4000  }
.Ltmp1:
0x35: {  	[sflag:s15] =	ssyncset.done $0x0;
	(pc) =	sbr.rel @p0 .LBB2_1-.Ltmp1, $4  }
0x36: {  	[sflag:s15] =	ssyncadd.s32 $0xFFFFC000  }
0x37: {  	[hbm4b:s16+s4] =	stream.linear.scatter [tilespmem:s11], [sflag:$0x5], $0x4000, $0x38;
	[tilespmem:$0x8100] =	vst v63  }
0x38: {  	_ =	swait.ge [sflag:s13], $0x4000  }
0x39: {  	[sflag:s13] =	ssyncset.done $0x0  }
.LBB2_2:
0x3a: {  	[sflag:s13] =	ssyncadd.s32 $0xFFFFC000  }
0x3b: {  	_ =	sfence.sel $0x180000  }
0x3c: {  	[bflag:$0x0] =	sbarrier.arrive $0xFFFF  }
0x3d: {  	p0 =	sne.s32 s1, $0x0;
	_ =	strace $0x90000047  }
0x3e: {  	s0 =	sadd.s32 @!p0 $0x100000, s3;
	[bflag:$0x2] =	sbarrier.arrive $0xFFFF  }
0x3f: {  	[sflag:s0] =	ssyncadd.tile.s32 @!p0 $0x1;
	_ =	shalt  }
.Lfunc_end2:
_tile_overlayer_lowered:
.L_overlay_start_2:
0x40: {  	(tag) =	ssettag $0x2  }
0x41: {  	s0 =	rddreg [dreg:$0x0];
	s2 =	stileid.u32  }
0x42: {  	s1 =	rddreg [dreg:$0x1];
	p0 =	sne.s32 s2, $0x0  }
0x43: {  	s3 =	rddreg [dreg:$0x2];
	[bflag:$0x3] =	sbarrier.arrive $0xFFFF;
	s2 =	simm.s32 @!p0 $0x1C05  }
0x44: {  	[timem:s3], [sflag:s2] =	dma.local @!p0 [hbm:s0], s1  }
0x45: {  	s0 =	simm.s32 @!p0 $0x5  }
0x46: {  	_ =	swait.ge @!p0 [sflag:s0], s1  }
0x47: {  	s1 =	ssub.s32 @!p0 $0x0, s1;
	[sflag:s0] =	ssyncset.done @!p0 $0x0  }
0x48: {  	[sflag:s0] =	ssyncadd.s32 @!p0 s1  }
0x49: {  	[bflag:$0x3] =	sbarrier.arrive $0xFFFF  }
0x4a: {  	_ =	shalt  }

</sc_bundles>
